<compile_context>
chip_gen: v7x
topology: tpu7x:2x2x1
jax: 0.10.2.dev20260603
libtpu: 0.0.44.dev20260713+nightly
codegen_flags: <defaults>
</compile_context>

<pallas_src>
import functools

import jax
import jax.numpy as jnp
from jax import lax
from jax.experimental import pallas as pl
from jax.experimental.pallas import tpu as pltpu
from jax.experimental.pallas import tpu_sc as plsc

_ROWS = 4096
_COLS = 50
_D = 512
_B = _ROWS * _COLS
_V = 23
_NC = 2
_NS = 16
_NW = _NC * _NS
_BPW = _B // _NW
_C = 64
_NITER = _BPW // _C
_NPAIR = _NITER // 2
_L = 16


def _emb_call(x_flat, table_flat):
    mesh = plsc.VectorSubcoreMesh(core_axis_name="c", subcore_axis_name="s")

    @functools.partial(
        pl.kernel,
        mesh=mesh,
        out_type=jax.ShapeDtypeStruct((_B * _D,), jnp.float32),
        compiler_params=pltpu.CompilerParams(needs_layout_passes=False),
        scratch_types=[
            pltpu.VMEM((_BPW,), jnp.int32),
            pltpu.VMEM((_V * _D,), jnp.float32),
            pltpu.VMEM((2 * _C * _D,), jnp.float32),
            pltpu.SemaphoreType.DMA((2,)),
        ],
    )
    def body(x_hbm, table_hbm, out_hbm, idx_v, table_v, rows_v, sem_o):
        cid = lax.axis_index("c")
        sid = lax.axis_index("s")
        wid = sid * _NC + cid
        base = wid * _BPW
        pltpu.sync_copy(table_hbm, table_v)
        pltpu.sync_copy(x_hbm.at[wid], idx_v)

        lane_off = lax.iota(jnp.int32, _L) * _D

        def fill(t, b):
            for g in range(_C // _L):
                row_idx = idx_v[pl.ds(t * _C + g * _L, _L)]
                src_base = row_idx * _D
                dst_base = (b * _C + g * _L) * _D + lane_off

                @functools.partial(plsc.parallel_loop, 0, _D, unroll=8)
                def _(c):
                    vals = plsc.load_gather(table_v, [src_base + c])
                    plsc.store_scatter(rows_v, [dst_base + c], vals)

        def out_start(t, b):
            pltpu.async_copy(rows_v.at[pl.ds(b * _C * _D, _C * _D)],
                             out_hbm.at[pl.ds((base + t * _C) * _D, _C * _D)],
                             sem_o.at[b])

        def out_wait(t, b):
            pltpu.make_async_copy(
                rows_v.at[pl.ds(b * _C * _D, _C * _D)],
                out_hbm.at[pl.ds((base + t * _C) * _D, _C * _D)],
                sem_o.at[b]).wait()

        def pair(s, carry):
            t0 = 2 * s

            @pl.when(s >= 1)
            def _():
                out_wait(t0 - 2, 0)

            fill(t0, 0)
            out_start(t0, 0)

            @pl.when(s >= 1)
            def _():
                out_wait(t0 - 1, 1)

            fill(t0 + 1, 1)
            out_start(t0 + 1, 1)
            return carry

        lax.fori_loop(0, _NPAIR, pair, 0)
        out_wait(_NITER - 2, 0)
        out_wait(_NITER - 1, 1)

    return body(x_flat, table_flat)


def kernel(x, table):
    x_flat = x.astype(jnp.int32).reshape(_NW, _BPW)
    out = _emb_call(x_flat, table.reshape(-1))
    return out.reshape(_ROWS, _COLS, _D)

# --- scband reference (transcript-rebuilt; emitter-appended) ---
"""Pipeline reference for scband-type-embedding-87677462380648 (READ-ONLY COPY).

The authoritative reference and input builder live on the scoring server;
editing this copy changes nothing except your own understanding.
"""

import jax, jax.numpy as jnp
import numpy as np

NUM_TYPES = 23
EMBED_DIM = 512

def setup_inputs(seed: int = 0) -> dict:
    key = jax.random.key(seed)
    k1, k2 = jax.random.split(key)
    x = jax.random.randint(k1, (4096, 50), 0, NUM_TYPES, dtype=jnp.int64 if jax.config.jax_enable_x64 else jnp.int32)
    table = jax.random.normal(k2, (NUM_TYPES, EMBED_DIM), dtype=jnp.float32)
    return {"x": x, "table": table}

def reference(x, table):
    # faithful to nn.Embedding(23, 512): gather rows of the table by index
    idx = x.astype(jnp.int32)
    return jnp.take(table, idx, axis=0)

if __name__ == "__main__":
    import jax
    _d = setup_inputs()
    print(jax.jit(kernel)(*tuple(_d.values())))

</pallas_src>

<mosaic_0001>
#map = affine_map<(d0, d1) -> (0, 0)>
#map1 = affine_map<(d0, d1) -> (0)>
module attributes {stable_mosaic.version = 14 : i64} {
  func.func @body(%arg0: i32, %arg1: i32, %arg2: memref<32x6400xi32, #tpu.memory_space<hbm>>, %arg3: memref<11776xf32, #tpu.memory_space<hbm>>, %arg4: memref<104857600xf32, #tpu.memory_space<hbm>>, %arg5: memref<6400xi32, #tpu.memory_space<vmem>>, %arg6: memref<11776xf32, #tpu.memory_space<vmem>>, %arg7: memref<65536xf32, #tpu.memory_space<vmem>>, %arg8: memref<2x!tpu.dma_semaphore, #tpu.memory_space<semaphore_mem>>) attributes {dimension_semantics = [#tpu.dimension_semantics<core_parallel>, #tpu.dimension_semantics<subcore_parallel>], iteration_bounds = array<i64: 2, 16>, scalar_prefetch = 0 : i64, scratch_operands = 4 : i64, tpu.core_type = #tpu.core_type<sc_vector_subcore>, window_params = [{transform_indices = #map}, {transform_indices = #map1}, {transform_indices = #map1}]} {
    %mul3A = arith.constant 2 : i32
    %mul3A_0 = arith.muli %arg1, %mul3A : i32
    %add3A = arith.addi %mul3A_0, %arg0 : i32
    %mul3A_1 = arith.constant 6400 : i32
    %mul3A_2 = arith.muli %add3A, %mul3A_1 : i32
    "tpu.region"() ({
      %run_scoped3A = tpu.sem_alloc : memref<!tpu.dma_semaphore, #tpu.memory_space<semaphore_mem>>
      tpu.enqueue_dma source(%arg3 : memref<11776xf32, #tpu.memory_space<hbm>>) target(%arg6 : memref<11776xf32, #tpu.memory_space<vmem>>) target_semaphore(%run_scoped3A : memref<!tpu.dma_semaphore, #tpu.memory_space<semaphore_mem>>)
      tpu.wait_dma2 semaphore(%run_scoped3A : memref<!tpu.dma_semaphore, #tpu.memory_space<semaphore_mem>>) src(%arg3 : memref<11776xf32, #tpu.memory_space<hbm>>) dst(%arg6 : memref<11776xf32, #tpu.memory_space<vmem>>)
      tpu.yield
    }) : () -> ()
    "tpu.region"() ({
      %run_scoped3A = tpu.sem_alloc : memref<!tpu.dma_semaphore, #tpu.memory_space<semaphore_mem>>
      %dma_start3A = arith.constant 0 : i32
      %dma_start3A_36 = tpu.memref_slice %arg2[%add3A, %dma_start3A] : memref<32x6400xi32, #tpu.memory_space<hbm>> -> memref<1x6400xi32, #tpu.memory_space<hbm>>
      %dma_start3A_37 = tpu.memref_squeeze %dma_start3A_36 : memref<1x6400xi32, #tpu.memory_space<hbm>> -> memref<6400xi32, #tpu.memory_space<hbm>>
      %dma_start3A_38 = arith.constant 0 : i32
      %dma_start3A_39 = tpu.memref_slice %arg2[%add3A, %dma_start3A_38] : memref<32x6400xi32, #tpu.memory_space<hbm>> -> memref<1x6400xi32, #tpu.memory_space<hbm>>
      %dma_start3A_40 = tpu.memref_squeeze %dma_start3A_39 : memref<1x6400xi32, #tpu.memory_space<hbm>> -> memref<6400xi32, #tpu.memory_space<hbm>>
      tpu.enqueue_dma source(%dma_start3A_40 : memref<6400xi32, #tpu.memory_space<hbm>>) target(%arg5 : memref<6400xi32, #tpu.memory_space<vmem>>) target_semaphore(%run_scoped3A : memref<!tpu.dma_semaphore, #tpu.memory_space<semaphore_mem>>)
      %dma_wait3A_41 = arith.constant 0 : i32
      %dma_wait3A_42 = tpu.memref_slice %arg2[%add3A, %dma_wait3A_41] : memref<32x6400xi32, #tpu.memory_space<hbm>> -> memref<1x6400xi32, #tpu.memory_space<hbm>>
      %dma_wait3A_43 = tpu.memref_squeeze %dma_wait3A_42 : memref<1x6400xi32, #tpu.memory_space<hbm>> -> memref<6400xi32, #tpu.memory_space<hbm>>
      %dma_wait3A_44 = arith.constant 0 : i32
      %dma_wait3A_45 = tpu.memref_slice %arg2[%add3A, %dma_wait3A_44] : memref<32x6400xi32, #tpu.memory_space<hbm>> -> memref<1x6400xi32, #tpu.memory_space<hbm>>
      %dma_wait3A_46 = tpu.memref_squeeze %dma_wait3A_45 : memref<1x6400xi32, #tpu.memory_space<hbm>> -> memref<6400xi32, #tpu.memory_space<hbm>>
      tpu.wait_dma2 semaphore(%run_scoped3A : memref<!tpu.dma_semaphore, #tpu.memory_space<semaphore_mem>>) src(%dma_wait3A_46 : memref<6400xi32, #tpu.memory_space<hbm>>) dst(%arg5 : memref<6400xi32, #tpu.memory_space<vmem>>)
      tpu.yield
    }) : () -> ()
    %iota3A = tpu.iota {dimensions = array<i32: 0>} : vector<16xi32>
    %mul3A_3 = arith.constant 512 : i32
    %mul3A_4 = vector.broadcast %mul3A_3 : i32 to vector<16xi32>
    %mul3A_5 = arith.muli %iota3A, %mul3A_4 : vector<16xi32>
    %scan3A = arith.constant 0 : i32
    %scan3A_6 = arith.constant 0 : i32
    %scan3A_7 = arith.constant 50 : i32
    %scan3A_8 = arith.addi %scan3A_6, %scan3A_7 : i32
    %scan3A_9 = arith.constant 1 : i32
    scf.for %scan3A_36 = %scan3A_6 to %scan3A_8 step %scan3A_9  : i32 {
      %mul3A_37 = arith.constant 2 : i32
      %mul3A_38 = arith.muli %mul3A_37, %scan3A_36 : i32
      %ge3A = arith.constant 1 : i32
      %ge3A_39 = arith.cmpi sge, %scan3A_36, %ge3A : i32
      %convert_element_type3A = arith.extui %ge3A_39 : i1 to i32
      %cond3A = arith.constant 0 : i32
      %cond3A_40 = arith.cmpi ne, %convert_element_type3A, %cond3A : i32
      scf.if %cond3A_40 {
        %sub3A = arith.constant 2 : i32
        %sub3A_172 = arith.subi %mul3A_38, %sub3A : i32
        %mul3A_173 = arith.constant 64 : i32
        %mul3A_174 = arith.muli %sub3A_172, %mul3A_173 : i32
        %add3A_175 = arith.addi %mul3A_2, %mul3A_174 : i32
        %mul3A_176 = arith.constant 512 : i32
        %mul3A_177 = arith.muli %add3A_175, %mul3A_176 : i32
        %dma_wait3A_178 = arith.constant 0 : i32
        %dma_wait3A_179 = arith.constant 0 : i32
        %dma_wait3A_180 = tpu.memref_slice %arg7[%dma_wait3A_179] : memref<65536xf32, #tpu.memory_space<vmem>> -> memref<32768xf32, #tpu.memory_space<vmem>>
        %dma_wait3A_181 = tpu.memref_slice %arg4[%mul3A_177] : memref<104857600xf32, #tpu.memory_space<hbm>> -> memref<32768xf32, #tpu.memory_space<hbm>>
        %dma_wait3A_182 = tpu.memref_slice %arg8[%dma_wait3A_178] : memref<2x!tpu.dma_semaphore, #tpu.memory_space<semaphore_mem>> -> memref<1x!tpu.dma_semaphore, #tpu.memory_space<semaphore_mem>>
        %dma_wait3A_183 = tpu.memref_squeeze %dma_wait3A_182 : memref<1x!tpu.dma_semaphore, #tpu.memory_space<semaphore_mem>> -> memref<!tpu.dma_semaphore, #tpu.memory_space<semaphore_mem>>
        %dma_wait3A_184 = tpu.memref_slice %arg4[%mul3A_177] : memref<104857600xf32, #tpu.memory_space<hbm>> -> memref<32768xf32, #tpu.memory_space<hbm>>
        %dma_wait3A_185 = arith.constant 0 : i32
        %dma_wait3A_186 = tpu.memref_slice %arg7[%dma_wait3A_185] : memref<65536xf32, #tpu.memory_space<vmem>> -> memref<32768xf32, #tpu.memory_space<vmem>>
        tpu.wait_dma2 semaphore(%dma_wait3A_183 : memref<!tpu.dma_semaphore, #tpu.memory_space<semaphore_mem>>) src(%dma_wait3A_186 : memref<32768xf32, #tpu.memory_space<vmem>>) dst(%dma_wait3A_184 : memref<32768xf32, #tpu.memory_space<hbm>>)
      } else {
      }
      %mul3A_41 = arith.constant 64 : i32
      %mul3A_42 = arith.muli %mul3A_38, %mul3A_41 : i32
      %add3A_43 = arith.constant 0 : i32
      %add3A_44 = arith.addi %mul3A_42, %add3A_43 : i32
      %get3A = arith.index_cast %add3A_44 : i32 to index
      %get3A_45 = tpu.vector_load %arg5[%get3A] {strides = array<i32>} : memref<6400xi32, #tpu.memory_space<vmem>>, vector<16xi32>,
      %mul3A_46 = arith.constant 512 : i32
      %mul3A_47 = vector.broadcast %mul3A_46 : i32 to vector<16xi32>
      %mul3A_48 = arith.muli %get3A_45, %mul3A_47 : vector<16xi32>
      %add3A_49 = arith.constant 0 : i32
      %add3A_50 = vector.broadcast %add3A_49 : i32 to vector<16xi32>
      %add3A_51 = arith.addi %add3A_50, %mul3A_5 : vector<16xi32>
      %mul3A_52 = arith.constant 64 : i32
      %mul3A_53 = arith.muli %mul3A_38, %mul3A_52 : i32
      %add3A_54 = arith.constant 16 : i32
      %add3A_55 = arith.addi %mul3A_53, %add3A_54 : i32
      %get3A_56 = arith.index_cast %add3A_55 : i32 to index
      %get3A_57 = tpu.vector_load %arg5[%get3A_56] {strides = array<i32>} : memref<6400xi32, #tpu.memory_space<vmem>>, vector<16xi32>,
      %mul3A_58 = arith.constant 512 : i32
      %mul3A_59 = vector.broadcast %mul3A_58 : i32 to vector<16xi32>
      %mul3A_60 = arith.muli %get3A_57, %mul3A_59 : vector<16xi32>
      %add3A_61 = arith.constant 8192 : i32
      %add3A_62 = vector.broadcast %add3A_61 : i32 to vector<16xi32>
      %add3A_63 = arith.addi %add3A_62, %mul3A_5 : vector<16xi32>
      %mul3A_64 = arith.constant 64 : i32
      %mul3A_65 = arith.muli %mul3A_38, %mul3A_64 : i32
      %add3A_66 = arith.constant 32 : i32
      %add3A_67 = arith.addi %mul3A_65, %add3A_66 : i32
      %get3A_68 = arith.index_cast %add3A_67 : i32 to index
      %get3A_69 = tpu.vector_load %arg5[%get3A_68] {strides = array<i32>} : memref<6400xi32, #tpu.memory_space<vmem>>, vector<16xi32>,
      %mul3A_70 = arith.constant 512 : i32
      %mul3A_71 = vector.broadcast %mul3A_70 : i32 to vector<16xi32>
      %mul3A_72 = arith.muli %get3A_69, %mul3A_71 : vector<16xi32>
      %add3A_73 = arith.constant 16384 : i32
      %add3A_74 = vector.broadcast %add3A_73 : i32 to vector<16xi32>
      %add3A_75 = arith.addi %add3A_74, %mul3A_5 : vector<16xi32>
      %mul3A_76 = arith.constant 64 : i32
      %mul3A_77 = arith.muli %mul3A_38, %mul3A_76 : i32
      %add3A_78 = arith.constant 48 : i32
      %add3A_79 = arith.addi %mul3A_77, %add3A_78 : i32
      %get3A_80 = arith.index_cast %add3A_79 : i32 to index
      %get3A_81 = tpu.vector_load %arg5[%get3A_80] {strides = array<i32>} : memref<6400xi32, #tpu.memory_space<vmem>>, vector<16xi32>,
      %mul3A_82 = arith.constant 512 : i32
      %mul3A_83 = vector.broadcast %mul3A_82 : i32 to vector<16xi32>
      %mul3A_84 = arith.muli %get3A_81, %mul3A_83 : vector<16xi32>
      %add3A_85 = arith.constant 24576 : i32
      %add3A_86 = vector.broadcast %add3A_85 : i32 to vector<16xi32>
      %add3A_87 = arith.addi %add3A_86, %mul3A_5 : vector<16xi32>
      %mul3A_88 = arith.constant 64 : i32
      %mul3A_89 = arith.muli %mul3A_38, %mul3A_88 : i32
      %add3A_90 = arith.addi %mul3A_2, %mul3A_89 : i32
      %mul3A_91 = arith.constant 512 : i32
      %mul3A_92 = arith.muli %add3A_90, %mul3A_91 : i32
      %dma_start3A = arith.constant 0 : i32
      %dma_start3A_93 = arith.constant 0 : i32
      %dma_start3A_94 = tpu.memref_slice %arg7[%dma_start3A_93] : memref<65536xf32, #tpu.memory_space<vmem>> -> memref<32768xf32, #tpu.memory_space<vmem>>
      %dma_start3A_95 = tpu.memref_slice %arg4[%mul3A_92] : memref<104857600xf32, #tpu.memory_space<hbm>> -> memref<32768xf32, #tpu.memory_space<hbm>>
      %dma_start3A_96 = tpu.memref_slice %arg8[%dma_start3A] : memref<2x!tpu.dma_semaphore, #tpu.memory_space<semaphore_mem>> -> memref<1x!tpu.dma_semaphore, #tpu.memory_space<semaphore_mem>>
      %dma_start3A_97 = tpu.memref_squeeze %dma_start3A_96 : memref<1x!tpu.dma_semaphore, #tpu.memory_space<semaphore_mem>> -> memref<!tpu.dma_semaphore, #tpu.memory_space<semaphore_mem>>
      %dma_start3A_98 = tpu.memref_slice %arg4[%mul3A_92] : memref<104857600xf32, #tpu.memory_space<hbm>> -> memref<32768xf32, #tpu.memory_space<hbm>>
      %dma_start3A_99 = arith.constant 0 : i32
      %dma_start3A_100 = tpu.memref_slice %arg7[%dma_start3A_99] : memref<65536xf32, #tpu.memory_space<vmem>> -> memref<32768xf32, #tpu.memory_space<vmem>>
      tpu.enqueue_dma source(%dma_start3A_100 : memref<32768xf32, #tpu.memory_space<vmem>>) target(%dma_start3A_98 : memref<32768xf32, #tpu.memory_space<hbm>>) target_semaphore(%dma_start3A_97 : memref<!tpu.dma_semaphore, #tpu.memory_space<semaphore_mem>>)
      %ge3A_101 = arith.constant 1 : i32
      %ge3A_102 = arith.cmpi sge, %scan3A_36, %ge3A_101 : i32
      %convert_element_type3A_103 = arith.extui %ge3A_102 : i1 to i32
      %cond3A_104 = arith.constant 0 : i32
      %cond3A_105 = arith.cmpi ne, %convert_element_type3A_103, %cond3A_104 : i32
      scf.if %cond3A_105 {
        %sub3A = arith.constant 1 : i32
        %sub3A_172 = arith.subi %mul3A_38, %sub3A : i32
        %mul3A_173 = arith.constant 64 : i32
        %mul3A_174 = arith.muli %sub3A_172, %mul3A_173 : i32
        %add3A_175 = arith.addi %mul3A_2, %mul3A_174 : i32
        %mul3A_176 = arith.constant 512 : i32
        %mul3A_177 = arith.muli %add3A_175, %mul3A_176 : i32
        %dma_wait3A_178 = arith.constant 1 : i32
        %dma_wait3A_179 = arith.constant 32768 : i32
        %dma_wait3A_180 = tpu.memref_slice %arg7[%dma_wait3A_179] : memref<65536xf32, #tpu.memory_space<vmem>> -> memref<32768xf32, #tpu.memory_space<vmem>>
        %dma_wait3A_181 = tpu.memref_slice %arg4[%mul3A_177] : memref<104857600xf32, #tpu.memory_space<hbm>> -> memref<32768xf32, #tpu.memory_space<hbm>>
        %dma_wait3A_182 = tpu.memref_slice %arg8[%dma_wait3A_178] : memref<2x!tpu.dma_semaphore, #tpu.memory_space<semaphore_mem>> -> memref<1x!tpu.dma_semaphore, #tpu.memory_space<semaphore_mem>>
        %dma_wait3A_183 = tpu.memref_squeeze %dma_wait3A_182 : memref<1x!tpu.dma_semaphore, #tpu.memory_space<semaphore_mem>> -> memref<!tpu.dma_semaphore, #tpu.memory_space<semaphore_mem>>
        %dma_wait3A_184 = tpu.memref_slice %arg4[%mul3A_177] : memref<104857600xf32, #tpu.memory_space<hbm>> -> memref<32768xf32, #tpu.memory_space<hbm>>
        %dma_wait3A_185 = arith.constant 32768 : i32
        %dma_wait3A_186 = tpu.memref_slice %arg7[%dma_wait3A_185] : memref<65536xf32, #tpu.memory_space<vmem>> -> memref<32768xf32, #tpu.memory_space<vmem>>
        tpu.wait_dma2 semaphore(%dma_wait3A_183 : memref<!tpu.dma_semaphore, #tpu.memory_space<semaphore_mem>>) src(%dma_wait3A_186 : memref<32768xf32, #tpu.memory_space<vmem>>) dst(%dma_wait3A_184 : memref<32768xf32, #tpu.memory_space<hbm>>)
      } else {
      }
      %add3A_106 = arith.constant 1 : i32
      %add3A_107 = arith.addi %mul3A_38, %add3A_106 : i32
      %mul3A_108 = arith.constant 64 : i32
      %mul3A_109 = arith.muli %add3A_107, %mul3A_108 : i32
      %add3A_110 = arith.constant 0 : i32
      %add3A_111 = arith.addi %mul3A_109, %add3A_110 : i32
      %get3A_112 = arith.index_cast %add3A_111 : i32 to index
      %get3A_113 = tpu.vector_load %arg5[%get3A_112] {strides = array<i32>} : memref<6400xi32, #tpu.memory_space<vmem>>, vector<16xi32>,
      %mul3A_114 = arith.constant 512 : i32
      %mul3A_115 = vector.broadcast %mul3A_114 : i32 to vector<16xi32>
      %mul3A_116 = arith.muli %get3A_113, %mul3A_115 : vector<16xi32>
      %add3A_117 = arith.constant 32768 : i32
      %add3A_118 = vector.broadcast %add3A_117 : i32 to vector<16xi32>
      %add3A_119 = arith.addi %add3A_118, %mul3A_5 : vector<16xi32>
      %mul3A_120 = arith.constant 64 : i32
      %mul3A_121 = arith.muli %add3A_107, %mul3A_120 : i32
      %add3A_122 = arith.constant 16 : i32
      %add3A_123 = arith.addi %mul3A_121, %add3A_122 : i32
      %get3A_124 = arith.index_cast %add3A_123 : i32 to index
      %get3A_125 = tpu.vector_load %arg5[%get3A_124] {strides = array<i32>} : memref<6400xi32, #tpu.memory_space<vmem>>, vector<16xi32>,
      %mul3A_126 = arith.constant 512 : i32
      %mul3A_127 = vector.broadcast %mul3A_126 : i32 to vector<16xi32>
      %mul3A_128 = arith.muli %get3A_125, %mul3A_127 : vector<16xi32>
      %add3A_129 = arith.constant 40960 : i32
      %add3A_130 = vector.broadcast %add3A_129 : i32 to vector<16xi32>
      %add3A_131 = arith.addi %add3A_130, %mul3A_5 : vector<16xi32>
      %mul3A_132 = arith.constant 64 : i32
      %mul3A_133 = arith.muli %add3A_107, %mul3A_132 : i32
      %add3A_134 = arith.constant 32 : i32
      %add3A_135 = arith.addi %mul3A_133, %add3A_134 : i32
      %get3A_136 = arith.index_cast %add3A_135 : i32 to index
      %get3A_137 = tpu.vector_load %arg5[%get3A_136] {strides = array<i32>} : memref<6400xi32, #tpu.memory_space<vmem>>, vector<16xi32>,
      %mul3A_138 = arith.constant 512 : i32
      %mul3A_139 = vector.broadcast %mul3A_138 : i32 to vector<16xi32>
      %mul3A_140 = arith.muli %get3A_137, %mul3A_139 : vector<16xi32>
      %add3A_141 = arith.constant 49152 : i32
      %add3A_142 = vector.broadcast %add3A_141 : i32 to vector<16xi32>
      %add3A_143 = arith.addi %add3A_142, %mul3A_5 : vector<16xi32>
      %mul3A_144 = arith.constant 64 : i32
      %mul3A_145 = arith.muli %add3A_107, %mul3A_144 : i32
      %add3A_146 = arith.constant 48 : i32
      %add3A_147 = arith.addi %mul3A_145, %add3A_146 : i32
      %get3A_148 = arith.index_cast %add3A_147 : i32 to index
      %get3A_149 = tpu.vector_load %arg5[%get3A_148] {strides = array<i32>} : memref<6400xi32, #tpu.memory_space<vmem>>, vector<16xi32>,
      %mul3A_150 = arith.constant 512 : i32
      %mul3A_151 = vector.broadcast %mul3A_150 : i32 to vector<16xi32>
      %mul3A_152 = arith.muli %get3A_149, %mul3A_151 : vector<16xi32>
      %add3A_153 = arith.constant 57344 : i32
      %add3A_154 = vector.broadcast %add3A_153 : i32 to vector<16xi32>
      %add3A_155 = arith.addi %add3A_154, %mul3A_5 : vector<16xi32>
      %add3A_156 = arith.constant 1 : i32
      %add3A_157 = arith.addi %mul3A_38, %add3A_156 : i32
      %mul3A_158 = arith.constant 64 : i32
      %mul3A_159 = arith.muli %add3A_157, %mul3A_158 : i32
      %add3A_160 = arith.addi %mul3A_2, %mul3A_159 : i32
      %mul3A_161 = arith.constant 512 : i32
      %mul3A_162 = arith.muli %add3A_160, %mul3A_161 : i32
      %dma_start3A_163 = arith.constant 1 : i32
      %dma_start3A_164 = arith.constant 32768 : i32
      %dma_start3A_165 = tpu.memref_slice %arg7[%dma_start3A_164] : memref<65536xf32, #tpu.memory_space<vmem>> -> memref<32768xf32, #tpu.memory_space<vmem>>
      %dma_start3A_166 = tpu.memref_slice %arg4[%mul3A_162] : memref<104857600xf32, #tpu.memory_space<hbm>> -> memref<32768xf32, #tpu.memory_space<hbm>>
      %dma_start3A_167 = tpu.memref_slice %arg8[%dma_start3A_163] : memref<2x!tpu.dma_semaphore, #tpu.memory_space<semaphore_mem>> -> memref<1x!tpu.dma_semaphore, #tpu.memory_space<semaphore_mem>>
      %dma_start3A_168 = tpu.memref_squeeze %dma_start3A_167 : memref<1x!tpu.dma_semaphore, #tpu.memory_space<semaphore_mem>> -> memref<!tpu.dma_semaphore, #tpu.memory_space<semaphore_mem>>
      %dma_start3A_169 = tpu.memref_slice %arg4[%mul3A_162] : memref<104857600xf32, #tpu.memory_space<hbm>> -> memref<32768xf32, #tpu.memory_space<hbm>>
      %dma_start3A_170 = arith.constant 32768 : i32
      %dma_start3A_171 = tpu.memref_slice %arg7[%dma_start3A_170] : memref<65536xf32, #tpu.memory_space<vmem>> -> memref<32768xf32, #tpu.memory_space<vmem>>
      tpu.enqueue_dma source(%dma_start3A_171 : memref<32768xf32, #tpu.memory_space<vmem>>) target(%dma_start3A_169 : memref<32768xf32, #tpu.memory_space<hbm>>) target_semaphore(%dma_start3A_168 : memref<!tpu.dma_semaphore, #tpu.memory_space<semaphore_mem>>)
    }
    %scan3A_10 = arith.constant 50 : i32
    %add3A_11 = arith.constant 6272 : i32
    %add3A_12 = arith.addi %mul3A_2, %add3A_11 : i32
    %mul3A_13 = arith.constant 512 : i32
    %mul3A_14 = arith.muli %add3A_12, %mul3A_13 : i32
    %dma_wait3A = arith.constant 0 : i32
    %dma_wait3A_15 = arith.constant 0 : i32
    %dma_wait3A_16 = tpu.memref_slice %arg7[%dma_wait3A_15] : memref<65536xf32, #tpu.memory_space<vmem>> -> memref<32768xf32, #tpu.memory_space<vmem>>
    %dma_wait3A_17 = tpu.memref_slice %arg4[%mul3A_14] : memref<104857600xf32, #tpu.memory_space<hbm>> -> memref<32768xf32, #tpu.memory_space<hbm>>
    %dma_wait3A_18 = tpu.memref_slice %arg8[%dma_wait3A] : memref<2x!tpu.dma_semaphore, #tpu.memory_space<semaphore_mem>> -> memref<1x!tpu.dma_semaphore, #tpu.memory_space<semaphore_mem>>
    %dma_wait3A_19 = tpu.memref_squeeze %dma_wait3A_18 : memref<1x!tpu.dma_semaphore, #tpu.memory_space<semaphore_mem>> -> memref<!tpu.dma_semaphore, #tpu.memory_space<semaphore_mem>>
    %dma_wait3A_20 = tpu.memref_slice %arg4[%mul3A_14] : memref<104857600xf32, #tpu.memory_space<hbm>> -> memref<32768xf32, #tpu.memory_space<hbm>>
    %dma_wait3A_21 = arith.constant 0 : i32
    %dma_wait3A_22 = tpu.memref_slice %arg7[%dma_wait3A_21] : memref<65536xf32, #tpu.memory_space<vmem>> -> memref<32768xf32, #tpu.memory_space<vmem>>
    tpu.wait_dma2 semaphore(%dma_wait3A_19 : memref<!tpu.dma_semaphore, #tpu.memory_space<semaphore_mem>>) src(%dma_wait3A_22 : memref<32768xf32, #tpu.memory_space<vmem>>) dst(%dma_wait3A_20 : memref<32768xf32, #tpu.memory_space<hbm>>)
    %add3A_23 = arith.constant 6336 : i32
    %add3A_24 = arith.addi %mul3A_2, %add3A_23 : i32
    %mul3A_25 = arith.constant 512 : i32
    %mul3A_26 = arith.muli %add3A_24, %mul3A_25 : i32
    %dma_wait3A_27 = arith.constant 1 : i32
    %dma_wait3A_28 = arith.constant 32768 : i32
    %dma_wait3A_29 = tpu.memref_slice %arg7[%dma_wait3A_28] : memref<65536xf32, #tpu.memory_space<vmem>> -> memref<32768xf32, #tpu.memory_space<vmem>>
    %dma_wait3A_30 = tpu.memref_slice %arg4[%mul3A_26] : memref<104857600xf32, #tpu.memory_space<hbm>> -> memref<32768xf32, #tpu.memory_space<hbm>>
    %dma_wait3A_31 = tpu.memref_slice %arg8[%dma_wait3A_27] : memref<2x!tpu.dma_semaphore, #tpu.memory_space<semaphore_mem>> -> memref<1x!tpu.dma_semaphore, #tpu.memory_space<semaphore_mem>>
    %dma_wait3A_32 = tpu.memref_squeeze %dma_wait3A_31 : memref<1x!tpu.dma_semaphore, #tpu.memory_space<semaphore_mem>> -> memref<!tpu.dma_semaphore, #tpu.memory_space<semaphore_mem>>
    %dma_wait3A_33 = tpu.memref_slice %arg4[%mul3A_26] : memref<104857600xf32, #tpu.memory_space<hbm>> -> memref<32768xf32, #tpu.memory_space<hbm>>
    %dma_wait3A_34 = arith.constant 32768 : i32
    %dma_wait3A_35 = tpu.memref_slice %arg7[%dma_wait3A_34] : memref<65536xf32, #tpu.memory_space<vmem>> -> memref<32768xf32, #tpu.memory_space<vmem>>
    tpu.wait_dma2 semaphore(%dma_wait3A_32 : memref<!tpu.dma_semaphore, #tpu.memory_space<semaphore_mem>>) src(%dma_wait3A_35 : memref<32768xf32, #tpu.memory_space<vmem>>) dst(%dma_wait3A_33 : memref<32768xf32, #tpu.memory_space<hbm>>)
    return
  }
}

</mosaic_0001>

<sc_bundles>
// kernel: kernel.3.cloned.1.call-start
scs
__scs_entry_jumppad:
0x0: {  	(pc) =	sbr.rel $0x88, $3  }
0x1: {  	(tag) =	ssettag $0x0;
	lr =	simm.s32 $0x1  }
0x2: {  	[smem:$0x3F9F] =	sst lr;
	_ =	strace $0xD0000000  }
0x3: {  	_ = 	snop  }
0x4: {  	_ = 	snop  }
0x5: {  	_ = 	snop  }
0x6: {  	_ = 	snop  }
0x7: {  	_ = 	snop  }
__scs_overlays_trampoline_lowered:
0x8: {  	[smem:$0x3FAE] =	sst s0  }
0x9: {  	[smem:$0x3FAF] =	sst s1  }
0xa: {  	[smem:$0x3FB0] =	sst s2  }
0xb: {  	[smem:$0x3FB1] =	sst s3  }
0xc: {  	[smem:$0x3FB2] =	sst s4  }
0xd: {  	[smem:$0x3FB3] =	sst s5  }
0xe: {  	[smem:$0x3FB4] =	sst s6  }
0xf: {  	[smem:$0x3FB5] =	sst s7  }
0x10: {  	[smem:$0x3FB6] =	sst s8  }
0x11: {  	[smem:$0x3FB7] =	sst s9;
	s0 =	simm.s32 @!p0 $0x0  }
0x12: {  	s1 =	sld [smem:$0x3F9D];
	s0 =	simm.s32 @p0 $0x1  }
0x13: {  	[smem:$0x3FB8] =	sst s0;
	s0 =	simm.s32 @!p1 $0x0  }
0x14: {  	s2 =	sld [smem:$0x3F9C];
	s0 =	simm.s32 @p1 $0x1  }
0x15: {  	[smem:$0x3FB9] =	sst s0;
	s0 =	simm.s32 @!p2 $0x0  }
0x16: {  	s3 =	sld [smem:$0x3FDB];
	s0 =	simm.s32 @p2 $0x1  }
0x17: {  	s4 =	simm.s32 $0x1BF5;
	[smem:$0x3FBB] =	sst s0  }
0x18: {  	s0 =	sld [smem:$0x3F9E];
	_ =	swait.ge [sflag:s4], $0x0  }
0x19: {  	s7 =	sld [smem:$0x3F9F]  }
0x1a: {  	s8 =	sadd.s32 $0xFFFFE003, lr  }
0x1b: {  	s9 =	sadd.s32 $0xFFFFFEF7, lr;
	s5 =	simm.s32 $0xFFFFFFFF;
	p2 =	slt.u32 s8, $0xFFFFF086  }
0x1c: {  	p1 =	slt.u32 s9, $0xF7A;
	s5 =	simm.s32 @!p2 $0x0  }
0x1d: {  	s5 =	simm.s32 @p1 $0x1;
	p0 =	seq.s32 s7, s2  }
0x1e: {  	s7 =	smul.u32 @!p0 $0xF7A, s2;
	p2 =	seq.s32 @!p0 s5, $0x0  }
0x1f: {  	s9 =	smul.u32 $0xF7A, s1;
	s8 =	simm.s32 @!p0 $0x1BF5;
	p2 =	por !p2, p0  }
0x20: {  	[sflag:s8] =	ssyncset.s32 @!p0 $0xFFFFF086;
	s6 =	sadd.s32 @!p0 s3, s7;
	s7 =	simm.s32 @!p0 $0x108  }
0x21: {  	s3 =	sadd.s32 s3, s9;
	s6 =	sadd.s32 @!p0 $0x88, s6;
	s7 =	simm.s32 @p2 $0x1082  }
0x22: {  	[simem:s7], [sflag:s8] =	dma.local @!p0 [hbm:s6], $0xF7A  }
0x23: {  	s9 =	sor.u32 $0xD0000000, s2;
	s6 =	simm.s32 $0x108;
	_ =	swait.ge @!p0 [sflag:s8], $0x0  }
0x24: {  	s3 =	sadd.s32 $0x88, s3;
	s6 =	simm.s32 @!p1 $0x1082;
	[sflag:s4] =	ssyncset.s32 $0xFFFFF086  }
0x25: {  	[simem:s6], [sflag:s4] =	dma.local [hbm:s3], $0xF7A  }
0x26: {  	[smem:$0x3F9F] =	sst s1;
	(tag) =	ssettag s2;
	_ =	strace s9  }
0x27: {  	s1 =	sld [smem:$0x3FAF]  }
0x28: {  	s2 =	sld [smem:$0x3FB0]  }
0x29: {  	s4 =	sld [smem:$0x3FB2]  }
0x2a: {  	p0 =	seq.s32 s5, $0x0;
	s5 =	sld [smem:$0x3FB3]  }
0x2b: {  	s6 =	sld [smem:$0x3FB4]  }
0x2c: {  	s7 =	sld [smem:$0x3FB5]  }
0x2d: {  	s3 =	simm.s32 $0x108;
	s8 =	sld [smem:$0x3FB6]  }
0x2e: {  	s3 =	simm.s32 @!p0 $0x1082;
	s9 =	sld [smem:$0x3FB7]  }
0x2f: {  	lr =	sadd.s32 s0, s3;
	s0 =	sld [smem:$0x3FAE]  }
0x30: {  	s3 =	sld [smem:$0x3FB1]  }
0x31: {  	[smem:$0x3FBA] =	sst s10  }
0x32: {  	s10 =	sld [smem:$0x3FB8];
	_ =	sdelay $0x3  }
0x33: {  	p0 =	seq.s32 s10, $0x1;
	s10 =	sld [smem:$0x3FBA];
	_ =	sdelay $0x3  }
0x34: {  	[smem:$0x3FBA] =	sst s10  }
0x35: {  	s10 =	sld [smem:$0x3FB9];
	_ =	sdelay $0x3  }
0x36: {  	p1 =	seq.s32 s10, $0x1;
	s10 =	sld [smem:$0x3FBA];
	_ =	sdelay $0x3  }
0x37: {  	[smem:$0x3FBA] =	sst s10  }
0x38: {  	s10 =	sld [smem:$0x3FBB]  }
0x39: {  	_ = 	snop;
	(pc) =	sbr.ind lr, $3  }
0x3a: {  	_ = 	snop  }
0x3b: {  	_ = 	snop  }
0x3c: {  	p2 =	seq.s32 s10, $0x1;
	s10 =	sld [smem:$0x3FBA]  }
0x3d: {  	_ =	shalt  }
0x3e: {  	_ =	shalt  }
0x3f: {  	_ =	shalt  }
0x40: {  	_ =	shalt  }
0x41: {  	_ =	shalt  }
0x42: {  	_ =	shalt  }
0x43: {  	_ =	shalt  }
0x44: {  	_ =	shalt  }
0x45: {  	_ =	shalt  }
0x46: {  	_ =	shalt  }
0x47: {  	_ =	shalt  }
0x48: {  	_ =	shalt  }
0x49: {  	_ =	shalt  }
0x4a: {  	_ =	shalt  }
0x4b: {  	_ =	shalt  }
0x4c: {  	_ =	shalt  }
0x4d: {  	_ =	shalt  }
0x4e: {  	_ =	shalt  }
0x4f: {  	_ =	shalt  }
0x50: {  	_ =	shalt  }
0x51: {  	_ =	shalt  }
0x52: {  	_ =	shalt  }
0x53: {  	_ =	shalt  }
0x54: {  	_ =	shalt  }
0x55: {  	_ =	shalt  }
0x56: {  	_ =	shalt  }
0x57: {  	_ =	shalt  }
0x58: {  	_ =	shalt  }
0x59: {  	_ =	shalt  }
0x5a: {  	_ =	shalt  }
0x5b: {  	_ =	shalt  }
0x5c: {  	_ =	shalt  }
0x5d: {  	_ =	shalt  }
0x5e: {  	_ =	shalt  }
0x5f: {  	_ =	shalt  }
0x60: {  	_ =	shalt  }
0x61: {  	_ =	shalt  }
0x62: {  	_ =	shalt  }
0x63: {  	_ =	shalt  }
0x64: {  	_ =	shalt  }
0x65: {  	_ =	shalt  }
0x66: {  	_ =	shalt  }
0x67: {  	_ =	shalt  }
0x68: {  	_ =	shalt  }
0x69: {  	_ =	shalt  }
0x6a: {  	_ =	shalt  }
0x6b: {  	_ =	shalt  }
0x6c: {  	_ =	shalt  }
0x6d: {  	_ =	shalt  }
0x6e: {  	_ =	shalt  }
0x6f: {  	_ =	shalt  }
0x70: {  	_ =	shalt  }
0x71: {  	_ =	shalt  }
0x72: {  	_ =	shalt  }
0x73: {  	_ =	shalt  }
0x74: {  	_ =	shalt  }
0x75: {  	_ =	shalt  }
0x76: {  	_ =	shalt  }
0x77: {  	_ =	shalt  }
0x78: {  	_ =	shalt  }
0x79: {  	_ =	shalt  }
0x7a: {  	_ =	shalt  }
0x7b: {  	_ =	shalt  }
0x7c: {  	_ =	shalt  }
0x7d: {  	_ =	shalt  }
0x7e: {  	_ =	shalt  }
0x7f: {  	_ =	shalt  }
0x80: {  	_ =	shalt  }
0x81: {  	_ =	shalt  }
0x82: {  	_ =	shalt  }
0x83: {  	_ =	shalt  }
0x84: {  	_ =	shalt  }
0x85: {  	_ =	shalt  }
0x86: {  	_ =	shalt  }
0x87: {  	_ =	shalt  }
.Lfunc_end0:
.L_simem_size_0:
called_computation.1_lowered:
.L_overlay_start_0:
0x88: {  	s2 =	sld [smem:$0x3FD9]  }
0x89: {  	s3 =	sld [smem:$0x3FFE];
	_ =	sdelay $0x1  }
0x8a: {  	s1 =	srdreg.scid  }
0x8b: {  	s0 =	sand.u32 $0x1, s1  }
0x8c: {  	s17 =	sshll.u32 s0, $0xA;
	s2 =	sadd.s32 s3, s2  }
0x8d: {  	s2 =	sadd.s32 s2, s17  }
0x8e: {  	[smem:$0x3FC6] =	sst s2  }
0x8f: {  	_ = 	snop  }
0x90: {  	s2 =	sld [smem:$0x3FD0];
	(tm) =	ssettm $0x1  }
0x91: {  	s18 =	sld [smem:$0x3FFB];
	_ =	sdelay $0x3  }
0x92: {  	_ =	strace s18  }
0x93: {  	s3 =	sld [smem:$0x3FFC];
	_ =	sdelay $0x3  }
0x94: {  	_ =	strace s3  }
0x95: {  	s3 =	sld [smem:$0x3FFD];
	_ =	sdelay $0x3  }
0x96: {  	_ =	strace s3  }
0x97: {  	_ =	strace $0x8FFFFFFF  }
0x98: {  	s19 =	sld [smem:$0x3FDB];
	_ =	sdelay $0x1  }
0x99: {  	s4 =	simm.s32 $_scs_section_size  }
0x9a: {  	s5 =	simm.s32 $_size__tile_overlayer_lowered;
	s6 =	simm.s32 $_tile_overlayer_lowered  }
0x9b: {  	s22 =	simm.s32 $0x1BFF;
	s21 =	sshll.u32 s6, $0x1;
	s3 =	sadd.s32 s4, s19  }
0x9c: {  	s7 =	simm.s32 $0x0;
	s20 =	sshll.u32 s5, $0x1;
	s5 =	sadd.s32 s21, s3  }
0x9d: {  	[timem:s7], [sflag:s22] =	dma.local [hbm:s5], s20  }
0x9e: {  	_ =	swait.ge [sflag:s22], s20  }
0x9f: {  	s4 =	ssub.s32 $0x0, s20;
	[sflag:s22] =	ssyncset.done $0x0  }
0xa0: {  	[sflag:s22] =	ssyncadd.s32 s4;
	_ =	sdelay $0x1  }
0xa1: {  	s23 =	simm.s32 $0x1B8B  }
0xa2: {  	_ =	swait.ge [sflag:s23], $0x1  }
0xa3: {  	[sflag:s23] =	ssyncset.done $0x0  }
0xa4: {  	s25 =	simm.s32 $0x1B8E;
	s24 =	sld [smem:$0x3FFE];
	[sflag:s23] =	ssyncadd.s32 $0xFFFFFFFF  }
0xa5: {  	s26 =	simm.s32 $execute0_lowered;
	[smem:$0x3FD2] =	sst s25  }
0xa6: {  	s5 =	sshll.u32 s26, $0x1;
	_ =	strace $0x80000046;
	[dreg:$0x1] =	wrdreg $0xFFFFFFFF  }
0xa7: {  	s28 =	simm.s32 $_size_execute0_lowered;
	s3 =	sadd.s32 s3, s5;
	[dreg:$0x0] =	wrdreg $0x0  }
0xa8: {  	s5 =	sshll.u32 s28, $0x1;
	[dreg:$0x2] =	wrdreg s3  }
0xa9: {  	[dreg:$0x3] =	wrdreg s5  }
0xaa: {  	[dreg:$0x4] =	wrdreg $0xC0  }
0xab: {  	_ =	task [dreg:s7], $0x5FFFF  }
0xac: {  	[dreg:$0x1] =	wrdreg $0xFFFFFFFF  }
0xad: {  	[dreg:$0x0] =	wrdreg $0x60  }
0xae: {  	[dreg:$0x2] =	wrdreg s24  }
0xaf: {  	[dreg:$0x3] =	wrdreg s2  }
0xb0: {  	[dreg:$0x4] =	wrdreg $0x9  }
0xb1: {  	_ =	task.clear_ibuf [dreg:s7], $0x5FFFF;
	_ =	strace $0x90000046  }
0xb2: {  	s29 =	simm.s32 $0x9;
	_ =	strace $0x80000048  }
0xb3: {  	_ =	swait.ge [sflag:s29], $0x1  }
0xb4: {  	[sflag:s29] =	ssyncadd.s32 $0xFFFFFFFF  }
0xb5: {  	_ =	strace $0x90000048  }
0xb6: {  	_ =	sfence  }
0xb7: {  	s30 =	sld [smem:$0x0];
	_ =	sdelay $0x2  }
0xb8: {  	s31 =	sshll.u32 s1, $0xD;
	s1 =	sshrl.u32 s1, $0x2  }
0xb9: {  	s3 =	sand.u32 $0x4000, s31;
	s1 =	sadd.s32 s1, s30  }
0xba: {  	s0 =	sor.u32 s3, s0;
	s1 =	sshll.u32 s1, $0x11  }
0xbb: {  	s0 =	sor.u32 s1, s0  }
0xbc: {  	s0 =	sadd.s32 $0x8F2B, s0  }
0xbd: {  	[sflag:s0] =	ssyncadd.remote.s32 $0x1  }
0xbe: {  	_ =	sfence.sel $0xFFFF  }
0xbf: {  	[dreg:$0x0] =	wrdreg $0xFFFFFFFF;
	(pc) =	sbr.abs _section_cstart, $3  }
0xc0: {  	[dreg:$0x1] =	wrdreg $0xFFFFFFFF  }
0xc1: {  	_ =	task.clear_ibuf [dreg:s7], $0x2FFFF;
	_ =	strace $0x9FFFFFFF  }
0xc2: {  	(tm) =	ssettm $0x7FFFFFFF  }
0xc3: {  	_ =	shalt  }
tec
execute0_lowered:
.L_overlay_start_1:
0x0: {  	(tag) =	ssettag $0x1  }
0x1: {  	s3 =	rddreg [dreg:$0x0];
	s1 =	srdreg.scid  }
0x2: {  	s0 =	stileid.u32;
	s9 =	rddreg [dreg:$0x1];
	s13 =	simm.s32 $0x400  }
0x3: {  	s14 =	simm.s32 $0x4700;
	s15 =	simm.s32 $0xC700;
	s16 =	simm.s32 $0x1  }
0x4: {  	s17 =	simm.s32 $0x2;
	s18 =	simm.s32 $0x0;
	s8 =	smul.u32 $0x640000, s0  }
0x5: {  	s5 =	sand.u32 $0x1, s1;
	s6 =	sshrl.u32 s0, $0x2;
	s29 =	smul.u32 $0xC8000, s0  }
0x6: {  	s2 =	sshll.u32 s0, $0x1;
	s1 =	rddreg [dreg:$0x2];
	s6 =	smul.u32 $0xC800, s6  }
0x7: {  	s4 =	sor.u32 s5, s2;
	s2 =	simm.s32 $0x0;
	s11 =	smul.u32 $0x320000, s5  }
0x8: {  	s28 =	ssub.s32 $0x2, s5;
	s12 =	smul.u32 $0x64000, s5;
	s7 =	sshll.u32 s4, $0x7  }
0x9: {  	[smem:$0x7FF] =	sst s2;
	s25 =	smul.u32 $0x64000, s4;
	s10 =	sshrl.u32 s28, $0x1  }
0xa: {  	s30 =	sadd.s32 s29, s9;
	s7 =	sand.u32 $0x380, s7;
	_ =	strace $0x80000047  }
0xb: {  	s8 =	sadd.s32 s11, s8;
	s11 =	simm.s32 $0x3;
	s6 =	sor.u32 s6, s7  }
0xc: {  	s5 =	sadd.s32 s9, s25;
	s8 =	sor.u32 $0x10000, s8;
	s26 =	sshrl.u32 s6, $0x3  }
0xd: {  	s6 =	ssub.s32 s28, s10;
	s10 =	sadd.s32 s12, s30;
	s31 =	sshrl.u32 s8, $0x3  }
0xe: {  	s7 =	sadd.s32 $0x1000, s5;
	s12 =	simm.s32 $0x80;
	s4 =	sadd.s32 s26, s3  }
0xf: {  	s3 =	sadd.s32 $0x800, s3;
	s6 =	smax.u32 s6, $0x1;
	s8 =	sadd.s32 $0x3000, s10  }
0x10: {  	s9 =	sadd.s32 s31, s9;
	s10 =	simm.s32 $0x1900;
	s4 =	sadd.s32 $0xE00, s4  }
.LBB2_1:
0x11: {  	[tilespmem:s10], [sflag:$0x3] =	stream.linear.gather [hbm4b:s3+s2], $0x2E00, $0x38;
	[tilespmem:$0x14700] =	vst v63  }
0x12: {  	_ =	swait.ge [sflag:s11], $0x2E00  }
0x13: {  	[sflag:s11] =	ssyncset.done $0x0  }
0x14: {  	[sflag:s11] =	ssyncadd.s32 $0xFFFFD200  }
0x15: {  	[tilespmem:s2], [sflag:$0x3] =	stream.strided.gather [hbm4b:s4+s12], $0x1900, s13, s12, $0x38;
	[tilespmem:$0x14700] =	vst v63  }
0x16: {  	_ =	swait.ge [sflag:s11], $0x1900  }
0x17: {  	[sflag:s11] =	ssyncset.done $0x0  }
0x18: {  	[sflag:s11] =	ssyncadd.s32 $0xFFFFE700  }
0x19: {  	[hbm4b:s5+s2] =	stream.linear.scatter [tilespmem:s14], [sflag:$0x1], $0x8000, $0x38;
	[tilespmem:$0x14700] =	vst v63  }
0x1a: {  	_ = 	snop  }
0x1b: {  	[hbm4b:s7+s2] =	stream.linear.scatter [tilespmem:s15], [sflag:$0x2], $0x8000, $0x38;
	[tilespmem:$0x14700] =	vst v63  }
0x1c: {  	_ =	swait.ge [sflag:s16], $0x8000  }
0x1d: {  	[sflag:s16] =	ssyncset.done $0x0  }
0x1e: {  	s19 =	sadd.s32 $0x0, s9;
	[sflag:s16] =	ssyncadd.s32 $0xFFFF8000  }
0x1f: {  	[hbm4b:s19+s2] =	stream.linear.scatter [tilespmem:s14], [sflag:$0x1], $0x8000, $0x38;
	[tilespmem:$0x14700] =	vst v63  }
0x20: {  	_ =	swait.ge [sflag:s17], $0x8000  }
0x21: {  	[sflag:s17] =	ssyncset.done $0x0  }
0x22: {  	s20 =	sadd.s32 $0x0, s8;
	s19 =	simm.s32 $0x2000;
	[sflag:s17] =	ssyncadd.s32 $0xFFFF8000  }
.LBB2_2:
0x23: {  	[hbm4b:s20+s2] =	stream.linear.scatter [tilespmem:s15], [sflag:$0x2], $0x8000, $0x38;
	[tilespmem:$0x14700] =	vst v63  }
0x24: {  	s20 =	smov.u32 s19  }
0x25: {  	p0 =	sne.s32 s19, $0x60000;
	s19 =	sadd.s32 $0x2000, s19;
	_ =	swait.ge [sflag:s16], $0x8000  }
0x26: {  	[sflag:s16] =	ssyncset.done $0x0  }
.Ltmp0:
0x27: {  	s21 =	sadd.s32 s20, s9;
	[sflag:s16] =	ssyncadd.s32 $0xFFFF8000;
	(pc) =	sbr.rel @p0 .LBB2_2-.Ltmp0, $4  }
0x28: {  	[hbm4b:s21+s2] =	stream.linear.scatter [tilespmem:s14], [sflag:$0x1], $0x8000, $0x38;
	[tilespmem:$0x14700] =	vst v63  }
0x29: {  	_ =	swait.ge [sflag:s17], $0x8000  }
0x2a: {  	[sflag:s17] =	ssyncset.done $0x0  }
0x2b: {  	s20 =	sadd.s32 s20, s8;
	[sflag:s17] =	ssyncadd.s32 $0xFFFF8000  }
0x2c: {  	[hbm4b:s20+s2] =	stream.linear.scatter [tilespmem:s15], [sflag:$0x2], $0x8000, $0x38;
	[tilespmem:$0x14700] =	vst v63  }
0x2d: {  	s18 =	sadd.s32 $0x1, s18  }
0x2e: {  	_ =	swait.ge [sflag:s16], $0x8000;
	p0 =	sne.s32 s18, s6  }
.Ltmp1:
0x2f: {  	[sflag:s16] =	ssyncset.done $0x0;
	(pc) =	sbr.rel @p0 .LBB2_1-.Ltmp1, $4  }
0x30: {  	[sflag:s16] =	ssyncadd.s32 $0xFFFF8000  }
0x31: {  	_ =	swait.ge [sflag:s17], $0x8000  }
0x32: {  	[sflag:s17] =	ssyncset.done $0x0  }
0x33: {  	[sflag:s17] =	ssyncadd.s32 $0xFFFF8000  }
0x34: {  	_ =	sfence.sel $0x180000  }
0x35: {  	[bflag:$0x0] =	sbarrier.arrive $0xFFFF  }
0x36: {  	p0 =	sne.s32 s0, $0x0;
	_ =	strace $0x90000047  }
0x37: {  	s0 =	sadd.s32 @!p0 $0x100000, s1;
	[bflag:$0x2] =	sbarrier.arrive $0xFFFF  }
0x38: {  	[sflag:s0] =	ssyncadd.tile.s32 @!p0 $0x1;
	_ =	shalt  }
.Lfunc_end2:
_tile_overlayer_lowered:
.L_overlay_start_2:
0x39: {  	(tag) =	ssettag $0x2  }
0x3a: {  	s0 =	rddreg [dreg:$0x0];
	s2 =	stileid.u32  }
0x3b: {  	s1 =	rddreg [dreg:$0x1];
	p0 =	sne.s32 s2, $0x0  }
0x3c: {  	s3 =	rddreg [dreg:$0x2];
	[bflag:$0x3] =	sbarrier.arrive $0xFFFF;
	s2 =	simm.s32 @!p0 $0x1C03  }
0x3d: {  	[timem:s3], [sflag:s2] =	dma.local @!p0 [hbm:s0], s1  }
0x3e: {  	s0 =	simm.s32 @!p0 $0x3  }
0x3f: {  	_ =	swait.ge @!p0 [sflag:s0], s1  }
0x40: {  	s1 =	ssub.s32 @!p0 $0x0, s1;
	[sflag:s0] =	ssyncset.done @!p0 $0x0  }
0x41: {  	[sflag:s0] =	ssyncadd.s32 @!p0 s1  }
0x42: {  	[bflag:$0x3] =	sbarrier.arrive $0xFFFF  }
0x43: {  	_ =	shalt  }

// kernel: sparse-core-data-format-call.cloned.1.call-start
scs
called_computation_lowered:
.L_overlay_start_0:
0x0: {  	s2 =	sld [smem:$0x3FD9]  }
0x1: {  	s3 =	sld [smem:$0x3FFE];
	_ =	sdelay $0x1  }
0x2: {  	s1 =	srdreg.scid  }
0x3: {  	s0 =	sand.u32 $0x1, s1  }
0x4: {  	s18 =	sshll.u32 s0, $0xA;
	s2 =	sadd.s32 s3, s2  }
0x5: {  	s2 =	sadd.s32 s2, s18  }
0x6: {  	[smem:$0x3FC6] =	sst s2  }
0x7: {  	_ = 	snop  }
0x8: {  	s2 =	sld [smem:$0x3FD0];
	(tm) =	ssettm $0x1  }
0x9: {  	s19 =	sld [smem:$0x3FFB];
	_ =	sdelay $0x3  }
0xa: {  	_ =	strace s19  }
0xb: {  	s3 =	sld [smem:$0x3FFC];
	_ =	sdelay $0x3  }
0xc: {  	_ =	strace s3  }
0xd: {  	s3 =	sld [smem:$0x3FFD];
	_ =	sdelay $0x3  }
0xe: {  	_ =	strace s3  }
0xf: {  	_ =	strace $0x8FFFFFFF  }
0x10: {  	s20 =	sld [smem:$0x3FDB];
	_ =	sdelay $0x1  }
0x11: {  	s4 =	simm.s32 $_scs_section_size  }
0x12: {  	s5 =	simm.s32 $_size__tile_overlayer_lowered;
	s6 =	simm.s32 $_tile_overlayer_lowered  }
0x13: {  	s23 =	simm.s32 $0x1BFF;
	s22 =	sshll.u32 s6, $0x1;
	s3 =	sadd.s32 s4, s20  }
0x14: {  	s7 =	simm.s32 $0x0;
	s21 =	sshll.u32 s5, $0x1;
	s5 =	sadd.s32 s22, s3  }
0x15: {  	[timem:s7], [sflag:s23] =	dma.local [hbm:s5], s21  }
0x16: {  	_ =	swait.ge [sflag:s23], s21  }
0x17: {  	s4 =	ssub.s32 $0x0, s21;
	[sflag:s23] =	ssyncset.done $0x0  }
0x18: {  	[sflag:s23] =	ssyncadd.s32 s4;
	_ =	sdelay $0x1  }
0x19: {  	s24 =	simm.s32 $0x1B8B  }
0x1a: {  	_ =	swait.ge [sflag:s24], $0x1  }
0x1b: {  	[sflag:s24] =	ssyncset.done $0x0  }
0x1c: {  	s26 =	simm.s32 $0x1B8E;
	s25 =	sld [smem:$0x3FFE];
	[sflag:s24] =	ssyncadd.s32 $0xFFFFFFFF  }
0x1d: {  	s27 =	simm.s32 $execute0_lowered;
	[smem:$0x3FD2] =	sst s26  }
0x1e: {  	s5 =	sshll.u32 s27, $0x1;
	_ =	strace $0x80000049;
	[dreg:$0x1] =	wrdreg $0xFFFFFFFF  }
0x1f: {  	s28 =	simm.s32 $_size_execute0_lowered;
	s3 =	sadd.s32 s3, s5;
	[dreg:$0x0] =	wrdreg $0x0  }
0x20: {  	s5 =	sshll.u32 s28, $0x1;
	[dreg:$0x2] =	wrdreg s3  }
0x21: {  	[dreg:$0x3] =	wrdreg s5  }
0x22: {  	[dreg:$0x4] =	wrdreg $0xC0  }
0x23: {  	_ =	task [dreg:s7], $0x5FFFF  }
0x24: {  	[dreg:$0x1] =	wrdreg $0xFFFFFFFF  }
0x25: {  	[dreg:$0x0] =	wrdreg $0x60  }
0x26: {  	[dreg:$0x2] =	wrdreg s25  }
0x27: {  	[dreg:$0x3] =	wrdreg s2  }
0x28: {  	[dreg:$0x4] =	wrdreg $0x9  }
0x29: {  	_ =	task.clear_ibuf [dreg:s7], $0x5FFFF;
	_ =	strace $0x90000049  }
0x2a: {  	s29 =	simm.s32 $0x9;
	_ =	strace $0x8000004B  }
0x2b: {  	_ =	swait.ge [sflag:s29], $0x1  }
0x2c: {  	[sflag:s29] =	ssyncadd.s32 $0xFFFFFFFF  }
0x2d: {  	_ =	strace $0x9000004B  }
0x2e: {  	_ =	sfence  }
0x2f: {  	s30 =	sld [smem:$0x0];
	_ =	sdelay $0x2  }
0x30: {  	s31 =	sshll.u32 s1, $0xD;
	s1 =	sshrl.u32 s1, $0x2  }
0x31: {  	s3 =	sand.u32 $0x4000, s31;
	s1 =	sadd.s32 s1, s30  }
0x32: {  	s0 =	sor.u32 s3, s0;
	s1 =	sshll.u32 s1, $0x11  }
0x33: {  	s0 =	sor.u32 s1, s0  }
0x34: {  	s0 =	sadd.s32 $0x8F2B, s0  }
0x35: {  	[sflag:s0] =	ssyncadd.remote.s32 $0x1  }
0x36: {  	_ =	sfence.sel $0xFFFF  }
0x37: {  	[dreg:$0x0] =	wrdreg $0xFFFFFFFF;
	(pc) =	sbr.abs _section_cstart, $3  }
0x38: {  	[dreg:$0x1] =	wrdreg $0xFFFFFFFF  }
0x39: {  	_ =	task.clear_ibuf [dreg:s7], $0x2FFFF;
	_ =	strace $0x9FFFFFFF  }
0x3a: {  	(tm) =	ssettm $0x7FFFFFFF  }
0x3b: {  	_ =	shalt  }
tec
execute0_lowered:
.L_overlay_start_1:
0x0: {  	(tag) =	ssettag $0x1  }
0x1: {  	s0 =	srdreg.scid  }
0x2: {  	s1 =	sshll.u32 s0, $0x4  }
0x3: {  	s6 =	rddreg [dreg:$0x0];
	s0 =	stileid.u32;
	s1 =	sand.u32 $0x10, s1  }
0x4: {  	s3 =	rddreg [dreg:$0x1];
	s1 =	sor.u32 s0, s1  }
0x5: {  	s5 =	simm.s32 $0x1;
	s31 =	simm.s32 $0x2;
	s2 =	sshll.u32 s1, $0x7  }
0x6: {  	s14 =	simm.s32 $0x0;
	s8 =	simm.s32 $0x1000;
	s4 =	ssub.s32 $0x1000, s2  }
0x7: {  	s9 =	simm.s32 $0x0;
	s15 =	simm.s32 $0x0;
	s30 =	sand.u32 $0xF80, s4  }
0x8: {  	s16 =	simm.s32 $0x0;
	s10 =	simm.s32 $0x0;
	p0 =	sne.s32 s30, $0x0  }
.Ltmp0:
0x9: {  	s7 =	sshrl.u32 s4, $0xC;
	s5 =	simm.s32 @!p0 $0x0;
	(pc) =	sbr.rel .LBB1_1-.Ltmp0, $4  }
0xa: {  	s11 =	simm.s32 $0x0;
	s1 =	rddreg [dreg:$0x2];
	s5 =	sadd.s32 s5, s7  }
0xb: {  	_ =	strace $0x8000004A;
	s4 =	simm.s32 $0x1;
	s5 =	smul.u32 $0xC8, s5  }
0xc: {  	s13 =	simm.s32 $0x0;
	s6 =	sadd.s32 $0x800, s6;
	[sflag:s4] =	ssyncpa.u1 $0x0  }
0xd: {  	s12 =	smov.u32 s2;
	[sflag:s31] =	ssyncpa.u1 $0x0;
	s7 =	sor.u32 $0x1, s5  }
.LBB1_4:
0xe: {  	_ =	sdelay $0x3  }
0xf: {  	[tilespmem:v0+s19+$0xFFFFFFD0 ss:$0x1] =	vst.idx.msk $0xffff, v6  }
0x10: {  	v56 =	vld.idx.msk [tilespmem:v1+s18+$0x0 ss:$0x1], $0xffff;
	[tilespmem:v0+s19+$0xFFFFFFE0 ss:$0x1] =	vst.idx.msk $0xffff, v4  }
0x11: {  	v57 =	vld.idx.msk [tilespmem:v1+s18+$0xFFFFFF90 ss:$0x1], $0xffff;
	[tilespmem:v0+s19+$0xFFFFFFF0 ss:$0x1] =	vst.idx.msk $0xffff, v2  }
0x12: {  	v58 =	vld.idx.msk [tilespmem:v1+s18+$0xFFFFFFA0 ss:$0x1], $0xffff;
	[tilespmem:v0+s19+$0x0 ss:$0x1] =	vst.idx.msk $0xffff, v3  }
0x13: {  	v59 =	vld.idx.msk [tilespmem:v1+s18+$0xFFFFFFB0 ss:$0x1], $0xffff;
	[tilespmem:v0+s19+$0x10 ss:$0x1] =	vst.idx.msk $0xffff, v5  }
0x14: {  	v60 =	vld.idx.msk [tilespmem:v1+s18+$0xFFFFFFC0 ss:$0x1], $0xffff;
	[tilespmem:v0+s19+$0x20 ss:$0x1] =	vst.idx.msk $0xffff, v7  }
0x15: {  	v61 =	vld.idx.msk [tilespmem:v1+s18+$0xFFFFFFD0 ss:$0x1], $0xffff;
	s27 =	sshll.u32 s16, $0x9;
	[tilespmem:v0+s18+$0x30 ss:$0x1] =	vst.idx.msk $0xffff, v56  }
0x16: {  	s20 =	sshll.u32 s14, $0x3;
	v62 =	vld.idx.msk [tilespmem:v1+s18+$0xFFFFFFE0 ss:$0x1], $0xffff;
	s28 =	sshll.u32 s16, $0x7;
	s30 =	sand.u32 $0x78, s14;
	[tilespmem:v0+s18+$0xFFFFFFC0 ss:$0x1] =	vst.idx.msk $0xffff, v57  }
0x17: {  	v63 =	vld.idx.msk [tilespmem:v1+s18+$0xFFFFFFF0 ss:$0x1], $0xffff;
	s15 =	sshll.u32 s15, $0x12;
	s19 =	sand.u32 $0x1FF000, s27;
	s20 =	sand.u32 $0x1FFC00, s20;
	[tilespmem:v0+s18+$0xFFFFFFD0 ss:$0x1] =	vst.idx.msk $0xffff, v58  }
0x18: {  	s29 =	sand.u32 $0x200, s28;
	s16 =	sand.u32 $0x180, s28;
	s19 =	sadd.s32 s19, s20;
	[tilespmem:v0+s18+$0xFFFFFFE0 ss:$0x1] =	vst.idx.msk $0xffff, v59  }
0x19: {  	s31 =	sand.u32 $0x7, s14;
	s16 =	sor.u32 s16, s30;
	s19 =	sor.u32 s29, s19;
	[tilespmem:v0+s18+$0xFFFFFFF0 ss:$0x1] =	vst.idx.msk $0xffff, v60  }
0x1a: {  	s15 =	sadd.s32 s3, s15;
	s16 =	sshrl.u32 s16, $0x3;
	s19 =	sshrl.u32 s19, $0x3;
	[tilespmem:v0+s18+$0x0 ss:$0x1] =	vst.idx.msk $0xffff, v61  }
0x1b: {  	s14 =	sshll.u32 s31, $0x12;
	s15 =	sadd.s32 s16, s15;
	[tilespmem:v0+s18+$0x10 ss:$0x1] =	vst.idx.msk $0xffff, v62;
	s19 =	sand.u32 $0x3FFC0, s19  }
0x1c: {  	s14 =	sor.u32 $0x400, s14;
	[tilespmem:v0+s18+$0x20 ss:$0x1] =	vst.idx.msk $0xffff, v63;
	s15 =	sadd.s32 s19, s15  }
0x1d: {  	[hbm4b:s15+s14] =	stream.strided.scatter [tilespmem:s17], [sflag:$0x2], $0x4000, s8, s14, $0x38;
	[tilespmem:$0x10000] =	vst v63  }
.LBB1_5:
0x1e: {  	s17 =	sadd.s32 $0x80, s10  }
0x1f: {  	s14 =	simm.s32 $0x1;
	p1 =	sgt.s32 s17, $0x1FF  }
0x20: {  	s14 =	simm.s32 @!p1 $0x0  }
0x21: {  	s18 =	sadd.s32 s14, s11  }
0x22: {  	s20 =	smov.u32 s12;
	s14 =	sadd.s32 $0x1000, s12;
	p2 =	sgt.s32 s18, $0x31  }
0x23: {  	s20 =	smov.u32 @p2 s14  }
0x24: {  	p0 =	slt.u32 s13, $0x2;
	s17 =	simm.s32 @p1 $0x0;
	p1 =	sgt.s32 s20, $0xFFF  }
0x25: {  	s19 =	simm.s32 @!p0 $0x2;
	s20 =	smov.u32 @p1 s2;
	p1 =	sne.s32 s13, s7  }
.Ltmp1:
0x26: {  	_ =	swait.ge @!p0 [sflag:s19], $0x4000;
	(pc) =	sbr.rel @!p1 .LBB1_6-.Ltmp1, $4  }
0x27: {  	s15 =	smov.u32 s11;
	[sflag:s19] =	ssyncset.done @!p0 $0x0  }
0x28: {  	s16 =	smov.u32 s12;
	s9 =	sadd.s32 $0x4000, s9;
	[sflag:s19] =	ssyncadd.s32 @!p0 $0xFFFFC000  }
0x29: {  	s18 =	simm.s32 @p2 $0x0;
	s14 =	smov.u32 s10;
	s10 =	smov.u32 s17  }
0x2a: {  	s11 =	smov.u32 s18;
	s13 =	sadd.s32 $0x1, s13;
	s12 =	smov.u32 s20  }
.LBB1_1:
0x2b: {  	p0 =	sge.u32 s13, s5  }
0x2c: {  	s17 =	sshll.u32 @!p0 s11, $0x9;
	s18 =	sshll.u32 @!p0 s10, $0x3  }
0x2d: {  	s19 =	sshll.u32 @!p0 s11, $0x7;
	s17 =	sand.u32 @!p0 $0xFFFFF000, s17;
	s18 =	sand.u32 @!p0 $0xFFFFFC00, s18  }
0x2e: {  	s17 =	sadd.s32 @!p0 s17, s18;
	s18 =	sand.u32 @!p0 $0x200, s19  }
0x2f: {  	s17 =	sor.u32 @!p0 s18, s17  }
0x30: {  	s17 =	sshrl.u32 @!p0 s17, $0x9  }
0x31: {  	s31 =	sadd.s32 $0xFFFFFFFF, s13;
	s18 =	smulhi.u32 @!p0 $0x4924925, s17  }
0x32: {  	s20 =	sxor.u32 @!p0 $0xFFFFFFFF, s13;
	s21 =	sand.u32 @!p0 $0x78, s10;
	s22 =	smul.u32 @!p0 $0xE00, s12  }
0x33: {  	s20 =	sshll.u32 @!p0 s20, $0xE;
	s19 =	sand.u32 @!p0 $0x180, s19;
	s18 =	smul.u32 @!p0 $0x38, s18  }
0x34: {  	s20 =	sand.u32 @!p0 $0x4000, s20;
	s19 =	sor.u32 @!p0 s21, s19;
	s21 =	sand.u32 @!p0 $0x7, s10  }
0x35: {  	s17 =	ssub.s32 @!p0 s17, s18;
	s18 =	sshrl.u32 @!p0 s19, $0x3;
	s19 =	sadd.s32 @!p0 s6, s22  }
0x36: {  	s17 =	sshll.u32 @!p0 s17, $0x6;
	s18 =	sadd.s32 @!p0 s18, s19;
	s19 =	sshll.u32 @!p0 s21, $0x12  }
0x37: {  	s17 =	sadd.s32 @!p0 s17, s18;
	s18 =	sor.u32 @!p0 $0x80, s19;
	s19 =	simm.s32 @!p0 $0x7000  }
0x38: {  	[tilespmem:s20], [sflag:$0x1] =	stream.strided.gather @!p0 [hbm4b:s17+s18], $0x4000, s19, s18, $0x38;
	[tilespmem:$0x10000] =	vst v63  }
0x39: {  	p0 =	sge.u32 s31, s5  }
.Ltmp2:
0x3a: {  	_ = 	snop;
	(pc) =	sbr.rel @p0 .LBB1_5-.Ltmp2, $1  }
0x3b: {  	_ =	sdelay $0x3  }
0x3c: {  	s17 =	sand.u32 $0x4000, s9  }
0x3d: {  	s18 =	sor.u32 $0x70, s17  }
0x3e: {  	v1 =	vmov s18;
	_ =	sdelay $0x1  }
0x3f: {  	_ =	swait.ge [sflag:s4], $0x4000  }
0x40: {  	[sflag:s4] =	ssyncset.done $0x0  }
0x41: {  	s19 =	simm.s32 $0x0;
	[sflag:s4] =	ssyncadd.s32 $0xFFFFC000  }
0x42: {  	s17 =	sor.u32 $0x8040, s17;
	v7 =	vld.idx.msk [tilespmem:v1+s19+$0x0 ss:$0x1], $0xffff  }
0x43: {  	v0 =	vmov s17;
	v8 =	vld.idx.msk [tilespmem:v1+s19+$0xFFFFFF90 ss:$0x1], $0xffff  }
0x44: {  	v6 =	vld.idx.msk [tilespmem:v1+s19+$0xFFFFFFA0 ss:$0x1], $0xffff  }
0x45: {  	v4 =	vld.idx.msk [tilespmem:v1+s19+$0xFFFFFFB0 ss:$0x1], $0xffff  }
0x46: {  	v2 =	vld.idx.msk [tilespmem:v1+s19+$0xFFFFFFC0 ss:$0x1], $0xffff  }
0x47: {  	s31 =	sshll.u32 s13, $0xE;
	v3 =	vld.idx.msk [tilespmem:v1+s19+$0xFFFFFFD0 ss:$0x1], $0xffff  }
0x48: {  	s17 =	sand.u32 $0x4000, s31;
	v5 =	vld.idx.msk [tilespmem:v1+s19+$0xFFFFFFE0 ss:$0x1], $0xffff;
	[tilespmem:v0+s19+$0x30 ss:$0x1] =	vst.idx.msk $0xffff, v7  }
0x49: {  	s20 =	simm.s32 $0x400;
	s18 =	simm.s32 $0x80;
	s17 =	sor.u32 $0x8000, s17;
	[tilespmem:v0+s19+$0xFFFFFFC0 ss:$0x1] =	vst.idx.msk $0xffff, v8;
	v7 =	vld.idx.msk [tilespmem:v1+s19+$0xFFFFFFF0 ss:$0x1], $0xffff  }
.LBB1_3:
0x4a: {  	p0 =	sne.s32 s20, $0xFE00;
	v8 =	vld.idx.msk [tilespmem:v1+s18+$0x0 ss:$0x1], $0xffff;
	[tilespmem:v0+s19+$0xFFFFFFD0 ss:$0x1] =	vst.idx.msk $0xffff, v6  }
0x4b: {  	v9 =	vld.idx.msk [tilespmem:v1+s18+$0xFFFFFF90 ss:$0x1], $0xffff;
	[tilespmem:v0+s19+$0xFFFFFFE0 ss:$0x1] =	vst.idx.msk $0xffff, v4  }
0x4c: {  	v6 =	vld.idx.msk [tilespmem:v1+s18+$0xFFFFFFA0 ss:$0x1], $0xffff;
	[tilespmem:v0+s19+$0xFFFFFFF0 ss:$0x1] =	vst.idx.msk $0xffff, v2  }
.Ltmp3:
0x4d: {  	v4 =	vld.idx.msk [tilespmem:v1+s18+$0xFFFFFFB0 ss:$0x1], $0xffff;
	[tilespmem:v0+s19+$0x0 ss:$0x1] =	vst.idx.msk $0xffff, v3;
	(pc) =	sbr.rel @p0 .LBB1_3-.Ltmp3, $4  }
0x4e: {  	v2 =	vld.idx.msk [tilespmem:v1+s18+$0xFFFFFFC0 ss:$0x1], $0xffff;
	[tilespmem:v0+s19+$0x10 ss:$0x1] =	vst.idx.msk $0xffff, v5  }
0x4f: {  	v3 =	vld.idx.msk [tilespmem:v1+s18+$0xFFFFFFD0 ss:$0x1], $0xffff;
	[tilespmem:v0+s19+$0x20 ss:$0x1] =	vst.idx.msk $0xffff, v7;
	s19 =	smov.u32 s18  }
0x50: {  	v5 =	vld.idx.msk [tilespmem:v1+s19+$0xFFFFFFE0 ss:$0x1], $0xffff;
	[tilespmem:v0+s19+$0x30 ss:$0x1] =	vst.idx.msk $0xffff, v8  }
0x51: {  	s18 =	sshra.s32 s20, $0x2;
	s20 =	sadd.s32 $0x200, s20;
	[tilespmem:v0+s19+$0xFFFFFFC0 ss:$0x1] =	vst.idx.msk $0xffff, v9;
	v7 =	vld.idx.msk [tilespmem:v1+s19+$0xFFFFFFF0 ss:$0x1], $0xffff  }
.Ltmp4:
0x52: {  	_ = 	snop;
	(pc) =	sbr.rel .LBB1_4-.Ltmp4, $1  }
0x53: {  	_ =	sdelay $0x3  }
.LBB1_6:
0x54: {  	_ =	sfence.sel $0x180000  }
0x55: {  	s2 =	simm.s32 $0x1;
	[bflag:$0x0] =	sbarrier.arrive $0xFFFF  }
0x56: {  	s31 =	simm.s32 $0x2;
	[sflag:s2] =	ssyncpa.u1 $0x1  }
0x57: {  	[sflag:s31] =	ssyncpa.u1 $0x1  }
0x58: {  	p0 =	sne.s32 s0, $0x0;
	_ =	strace $0x9000004A  }
0x59: {  	s0 =	sadd.s32 @!p0 $0x100000, s1;
	[bflag:$0x2] =	sbarrier.arrive $0xFFFF  }
0x5a: {  	[sflag:s0] =	ssyncadd.tile.s32 @!p0 $0x1;
	_ =	shalt  }
.Lfunc_end1:
_tile_overlayer_lowered:
.L_overlay_start_2:
0x5b: {  	(tag) =	ssettag $0x2  }
0x5c: {  	s0 =	rddreg [dreg:$0x0];
	s2 =	stileid.u32  }
0x5d: {  	s1 =	rddreg [dreg:$0x1];
	p0 =	sne.s32 s2, $0x0  }
0x5e: {  	s3 =	rddreg [dreg:$0x2];
	[bflag:$0x3] =	sbarrier.arrive $0xFFFF;
	s2 =	simm.s32 @!p0 $0x1C01  }
0x5f: {  	[timem:s3], [sflag:s2] =	dma.local @!p0 [hbm:s0], s1  }
0x60: {  	s0 =	simm.s32 @!p0 $0x1  }
0x61: {  	_ =	swait.ge @!p0 [sflag:s0], s1  }
0x62: {  	s1 =	ssub.s32 @!p0 $0x0, s1;
	[sflag:s0] =	ssyncset.done @!p0 $0x0  }
0x63: {  	[sflag:s0] =	ssyncadd.s32 @!p0 s1  }
0x64: {  	[bflag:$0x3] =	sbarrier.arrive $0xFFFF  }
0x65: {  	_ =	shalt  }

</sc_bundles>
